<compile_context>
chip_gen: v7x
topology: tpu7x:2x2x1
jax: 0.10.2.dev20260603
libtpu: 0.0.44.dev20260713+nightly
codegen_flags: <defaults>
</compile_context>

<pallas_src>
import functools

import jax
import jax.numpy as jnp
from jax import lax
from jax.experimental import pallas as pl
from jax.experimental.pallas import tpu as pltpu
from jax.experimental.pallas import tpu_sc as plsc

_F = 512
_LANES = 16


@functools.lru_cache(maxsize=None)
def _make_sc_kernel(B, L):
    info = plsc.get_sparse_core_info()
    num_cores = info.num_cores
    num_workers = num_cores * info.num_subcores
    assert num_workers % B == 0
    seg = _F * B // num_workers
    n_chunks = seg // _LANES
    mesh = plsc.VectorSubcoreMesh(core_axis_name="c", subcore_axis_name="s")

    @functools.partial(
        pl.kernel,
        mesh=mesh,
        out_type=jax.ShapeDtypeStruct((B, _F), jnp.int32),
        scratch_types=[
            pltpu.VMEM((seg,), jnp.int32),
        ],
    )
    def tok(ids_hbm, out_hbm, seg_v):
        wid = lax.axis_index("s") * num_cores + lax.axis_index("c")
        segs_per_row = _F // seg
        row = wid // segs_per_row
        col0 = (wid % segs_per_row) * seg

        pltpu.sync_copy(ids_hbm.at[row, pl.ds(col0, seg)], seg_v)
        lane = lax.iota(jnp.int32, _LANES)
        lenvec = jnp.zeros((_LANES,), jnp.int32)
        vals = []
        for c in range(n_chunks):
            v = seg_v[pl.ds(c * _LANES, _LANES)]
            vals.append(v)
            idx1 = lane + (c * _LANES + 1)
            lenvec = jnp.maximum(lenvec, jnp.where(v != 0, idx1, 0))
        dnums = lax.GatherDimensionNumbers(
            offset_dims=(), collapsed_slice_dims=(0,), start_index_map=(0,)
        )
        for s in (8, 4, 2, 1):
            shuf = lax.gather(
                lenvec,
                (lane ^ s)[:, None],
                dnums,
                slice_sizes=(1,),
                mode=lax.GatherScatterMode.PROMISE_IN_BOUNDS,
            )
            lenvec = jnp.maximum(lenvec, shuf)
        for c in range(n_chunks):
            pos = lane + c * _LANES
            seg_v[pl.ds(c * _LANES, _LANES)] = jnp.where(pos < lenvec, vals[c], 0)
        pltpu.sync_copy(seg_v, out_hbm.at[row, pl.ds(col0, seg)])

    return tok


def kernel(token_ids):
    B, L = token_ids.shape
    return _make_sc_kernel(B, L)(token_ids)

# --- scband reference (transcript-rebuilt; emitter-appended) ---
"""Pipeline reference for scband-space-tokenizer-47845935677988 (READ-ONLY COPY).

The authoritative reference and input builder live on the scoring server;
editing this copy changes nothing except your own understanding.
"""

import jax, jax.numpy as jnp
import numpy as np

# The original keras module is a string tokenizer (TextVectorization). The string->id
# lookup is a hash-table op with no numeric analog; the numeric core of the forward
# (tokenize_fixed) is: take a padded int id tensor [B, L] (padding value 0), strip
# trailing padding per row (RaggedTensor.from_tensor(padding=0)), then re-densify to
# a fixed sequence length with zero padding / truncation (ragged.to_tensor(shape=[None, F])).
# We model the input as the already-vectorized id tensor.

FIXED_SEQ_LENGTH = 512
MAX_TOKENS = 30000
B, L = 16, 2048


def setup_inputs(seed: int = 0) -> dict:
    key = jax.random.key(seed)
    k1, k2 = jax.random.split(key)
    ids = jax.random.randint(k1, (B, L), 0, MAX_TOKENS).astype(jnp.int32)
    # emulate ragged rows: zero out everything past a random per-row length
    lengths = jax.random.randint(k2, (B,), 1, L + 1)
    pos = jnp.arange(L)[None, :]
    ids = jnp.where(pos < lengths[:, None], ids, 0).astype(jnp.int32)
    return {"token_ids": ids}


def reference(token_ids):
    Bc, Lc = token_ids.shape
    pos = jnp.arange(Lc)
    # RaggedTensor.from_tensor(tensor, padding=0): per-row length = index of last
    # non-padding element + 1 (interior zeros are kept, only trailing padding stripped)
    nonzero = token_ids != 0
    lengths = jnp.max(jnp.where(nonzero, pos[None, :] + 1, 0), axis=1)
    # values past the ragged length are padding (zero) by construction; enforce it
    ragged_vals = jnp.where(pos[None, :] < lengths[:, None], token_ids, 0)
    F = FIXED_SEQ_LENGTH
    # ragged.to_tensor(shape=[None, F]): truncate or zero-pad each row to length F
    if F <= Lc:
        out = ragged_vals[:, :F]
    else:
        out = jnp.pad(ragged_vals, ((0, 0), (0, F - Lc)))
    return out

if __name__ == "__main__":
    import jax
    _d = setup_inputs()
    print(jax.jit(kernel)(*tuple(_d.values())))

</pallas_src>

<mosaic_0001>
#map = affine_map<(d0, d1) -> (0, 0)>
module attributes {stable_mosaic.version = 14 : i64} {
  func.func @tok(%arg0: i32, %arg1: i32, %arg2: memref<16x2048xi32, #tpu.memory_space<hbm>>, %arg3: memref<16x512xi32, #tpu.memory_space<hbm>>, %arg4: memref<256xi32, #tpu.memory_space<vmem>>) attributes {dimension_semantics = [#tpu.dimension_semantics<core_parallel>, #tpu.dimension_semantics<subcore_parallel>], iteration_bounds = array<i64: 2, 16>, scalar_prefetch = 0 : i64, scratch_operands = 1 : i64, tpu.core_type = #tpu.core_type<sc_vector_subcore>, window_params = [{transform_indices = #map}, {transform_indices = #map}]} {
    %mul3A = arith.constant 2 : i32
    %mul3A_0 = arith.muli %arg1, %mul3A : i32
    %add3A = arith.addi %mul3A_0, %arg0 : i32
    %jit3A = arith.constant 2 : i32
    %div3A = arith.divsi %add3A, %jit3A : i32
    %sign3A = arith.constant 0 : i32
    %sign3A_1 = arith.cmpi sgt, %add3A, %sign3A : i32
    %sign3A_2 = arith.extui %sign3A_1 : i1 to i32
    %sign3A_3 = arith.constant 0 : i32
    %sign3A_4 = arith.cmpi slt, %add3A, %sign3A_3 : i32
    %sign3A_5 = arith.extui %sign3A_4 : i1 to i32
    %sign3A_6 = arith.subi %sign3A_2, %sign3A_5 : i32
    %sign3A_7 = arith.constant 0 : i32
    %sign3A_8 = arith.cmpi sgt, %jit3A, %sign3A_7 : i32
    %sign3A_9 = arith.extui %sign3A_8 : i1 to i32
    %sign3A_10 = arith.constant 0 : i32
    %sign3A_11 = arith.cmpi slt, %jit3A, %sign3A_10 : i32
    %sign3A_12 = arith.extui %sign3A_11 : i1 to i32
    %sign3A_13 = arith.subi %sign3A_9, %sign3A_12 : i32
    %ne3A = arith.cmpi ne, %sign3A_6, %sign3A_13 : i32
    %rem3A = arith.remsi %add3A, %jit3A : i32
    %ne3A_14 = arith.constant 0 : i32
    %ne3A_15 = arith.cmpi ne, %rem3A, %ne3A_14 : i32
    %and3A = arith.andi %ne3A, %ne3A_15 : i1
    %sub3A = arith.constant 1 : i32
    %sub3A_16 = arith.subi %div3A, %sub3A : i32
    %select_n3A = arith.select %and3A, %sub3A_16, %div3A : i32
    %jit3A_17 = arith.constant 2 : i32
    %eq3A = arith.constant 0 : i32
    %eq3A_18 = arith.cmpi eq, %jit3A_17, %eq3A : i32
    %jit3A_19 = arith.constant 1 : i32
    %select_n3A_20 = arith.select %eq3A_18, %jit3A_19, %jit3A_17 : i32
    %rem3A_21 = arith.remsi %add3A, %select_n3A_20 : i32
    %ne3A_22 = arith.constant 0 : i32
    %ne3A_23 = arith.cmpi ne, %rem3A_21, %ne3A_22 : i32
    %lt3A = arith.constant 0 : i32
    %lt3A_24 = arith.cmpi slt, %rem3A_21, %lt3A : i32
    %lt3A_25 = arith.constant 0 : i32
    %lt3A_26 = arith.cmpi slt, %select_n3A_20, %lt3A_25 : i32
    %ne3A_27 = arith.xori %lt3A_24, %lt3A_26 : i1
    %and3A_28 = arith.andi %ne3A_27, %ne3A_23 : i1
    %add3A_29 = arith.addi %rem3A_21, %select_n3A_20 : i32
    %select_n3A_30 = arith.select %and3A_28, %add3A_29, %rem3A_21 : i32
    %mul3A_31 = arith.constant 256 : i32
    %mul3A_32 = arith.muli %select_n3A_30, %mul3A_31 : i32
    "tpu.region"() ({
      %run_scoped3A = tpu.sem_alloc : memref<!tpu.dma_semaphore, #tpu.memory_space<semaphore_mem>>
      %dma_start3A = tpu.memref_slice %arg2[%select_n3A, %mul3A_32] : memref<16x2048xi32, #tpu.memory_space<hbm>> -> memref<1x256xi32, #tpu.memory_space<hbm>>
      %dma_start3A_441 = tpu.memref_squeeze %dma_start3A : memref<1x256xi32, #tpu.memory_space<hbm>> -> memref<256xi32, #tpu.memory_space<hbm>>
      %dma_start3A_442 = tpu.memref_slice %arg2[%select_n3A, %mul3A_32] : memref<16x2048xi32, #tpu.memory_space<hbm>> -> memref<1x256xi32, #tpu.memory_space<hbm>>
      %dma_start3A_443 = tpu.memref_squeeze %dma_start3A_442 : memref<1x256xi32, #tpu.memory_space<hbm>> -> memref<256xi32, #tpu.memory_space<hbm>>
      tpu.enqueue_dma source(%dma_start3A_443 : memref<256xi32, #tpu.memory_space<hbm>>) target(%arg4 : memref<256xi32, #tpu.memory_space<vmem>>) target_semaphore(%run_scoped3A : memref<!tpu.dma_semaphore, #tpu.memory_space<semaphore_mem>>)
      %dma_wait3A = tpu.memref_slice %arg2[%select_n3A, %mul3A_32] : memref<16x2048xi32, #tpu.memory_space<hbm>> -> memref<1x256xi32, #tpu.memory_space<hbm>>
      %dma_wait3A_444 = tpu.memref_squeeze %dma_wait3A : memref<1x256xi32, #tpu.memory_space<hbm>> -> memref<256xi32, #tpu.memory_space<hbm>>
      %dma_wait3A_445 = tpu.memref_slice %arg2[%select_n3A, %mul3A_32] : memref<16x2048xi32, #tpu.memory_space<hbm>> -> memref<1x256xi32, #tpu.memory_space<hbm>>
      %dma_wait3A_446 = tpu.memref_squeeze %dma_wait3A_445 : memref<1x256xi32, #tpu.memory_space<hbm>> -> memref<256xi32, #tpu.memory_space<hbm>>
      tpu.wait_dma2 semaphore(%run_scoped3A : memref<!tpu.dma_semaphore, #tpu.memory_space<semaphore_mem>>) src(%dma_wait3A_446 : memref<256xi32, #tpu.memory_space<hbm>>) dst(%arg4 : memref<256xi32, #tpu.memory_space<vmem>>)
      tpu.yield
    }) : () -> ()
    %iota3A = tpu.iota {dimensions = array<i32: 0>} : vector<16xi32>
    %broadcast_in_dim3A = arith.constant 0 : i32
    %broadcast_in_dim3A_33 = vector.broadcast %broadcast_in_dim3A : i32 to vector<16xi32>
    %get3A = arith.constant 0 : index
    %get3A_34 = tpu.vector_load %arg4[%get3A] {strides = array<i32>} : memref<256xi32, #tpu.memory_space<vmem>>, vector<16xi32>,
    %get3A_35 = vector.shape_cast %get3A_34 : vector<16xi32> to vector<16xi32>
    %add3A_36 = arith.constant 1 : i32
    %add3A_37 = vector.broadcast %add3A_36 : i32 to vector<16xi32>
    %add3A_38 = arith.addi %iota3A, %add3A_37 : vector<16xi32>
    %ne3A_39 = arith.constant 0 : i32
    %ne3A_40 = vector.broadcast %ne3A_39 : i32 to vector<16xi32>
    %ne3A_41 = arith.cmpi ne, %get3A_35, %ne3A_40 : vector<16xi32>
    %jit3A_42 = arith.constant 0 : i32
    %broadcast_in_dim3A_43 = vector.broadcast %jit3A_42 : i32 to vector<16xi32>
    %select_n3A_44 = arith.select %ne3A_41, %add3A_38, %broadcast_in_dim3A_43 : vector<16xi1>, vector<16xi32>
    %max3A = arith.maxsi %broadcast_in_dim3A_33, %select_n3A_44 : vector<16xi32>
    %get3A_45 = arith.constant 16 : index
    %get3A_46 = tpu.vector_load %arg4[%get3A_45] {strides = array<i32>} : memref<256xi32, #tpu.memory_space<vmem>>, vector<16xi32>,
    %get3A_47 = vector.shape_cast %get3A_46 : vector<16xi32> to vector<16xi32>
    %add3A_48 = arith.constant 17 : i32
    %add3A_49 = vector.broadcast %add3A_48 : i32 to vector<16xi32>
    %add3A_50 = arith.addi %iota3A, %add3A_49 : vector<16xi32>
    %ne3A_51 = arith.constant 0 : i32
    %ne3A_52 = vector.broadcast %ne3A_51 : i32 to vector<16xi32>
    %ne3A_53 = arith.cmpi ne, %get3A_47, %ne3A_52 : vector<16xi32>
    %jit3A_54 = arith.constant 0 : i32
    %broadcast_in_dim3A_55 = vector.broadcast %jit3A_54 : i32 to vector<16xi32>
    %select_n3A_56 = arith.select %ne3A_53, %add3A_50, %broadcast_in_dim3A_55 : vector<16xi1>, vector<16xi32>
    %max3A_57 = arith.maxsi %max3A, %select_n3A_56 : vector<16xi32>
    %get3A_58 = arith.constant 32 : index
    %get3A_59 = tpu.vector_load %arg4[%get3A_58] {strides = array<i32>} : memref<256xi32, #tpu.memory_space<vmem>>, vector<16xi32>,
    %get3A_60 = vector.shape_cast %get3A_59 : vector<16xi32> to vector<16xi32>
    %add3A_61 = arith.constant 33 : i32
    %add3A_62 = vector.broadcast %add3A_61 : i32 to vector<16xi32>
    %add3A_63 = arith.addi %iota3A, %add3A_62 : vector<16xi32>
    %ne3A_64 = arith.constant 0 : i32
    %ne3A_65 = vector.broadcast %ne3A_64 : i32 to vector<16xi32>
    %ne3A_66 = arith.cmpi ne, %get3A_60, %ne3A_65 : vector<16xi32>
    %jit3A_67 = arith.constant 0 : i32
    %broadcast_in_dim3A_68 = vector.broadcast %jit3A_67 : i32 to vector<16xi32>
    %select_n3A_69 = arith.select %ne3A_66, %add3A_63, %broadcast_in_dim3A_68 : vector<16xi1>, vector<16xi32>
    %max3A_70 = arith.maxsi %max3A_57, %select_n3A_69 : vector<16xi32>
    %get3A_71 = arith.constant 48 : index
    %get3A_72 = tpu.vector_load %arg4[%get3A_71] {strides = array<i32>} : memref<256xi32, #tpu.memory_space<vmem>>, vector<16xi32>,
    %get3A_73 = vector.shape_cast %get3A_72 : vector<16xi32> to vector<16xi32>
    %add3A_74 = arith.constant 49 : i32
    %add3A_75 = vector.broadcast %add3A_74 : i32 to vector<16xi32>
    %add3A_76 = arith.addi %iota3A, %add3A_75 : vector<16xi32>
    %ne3A_77 = arith.constant 0 : i32
    %ne3A_78 = vector.broadcast %ne3A_77 : i32 to vector<16xi32>
    %ne3A_79 = arith.cmpi ne, %get3A_73, %ne3A_78 : vector<16xi32>
    %jit3A_80 = arith.constant 0 : i32
    %broadcast_in_dim3A_81 = vector.broadcast %jit3A_80 : i32 to vector<16xi32>
    %select_n3A_82 = arith.select %ne3A_79, %add3A_76, %broadcast_in_dim3A_81 : vector<16xi1>, vector<16xi32>
    %max3A_83 = arith.maxsi %max3A_70, %select_n3A_82 : vector<16xi32>
    %get3A_84 = arith.constant 64 : index
    %get3A_85 = tpu.vector_load %arg4[%get3A_84] {strides = array<i32>} : memref<256xi32, #tpu.memory_space<vmem>>, vector<16xi32>,
    %get3A_86 = vector.shape_cast %get3A_85 : vector<16xi32> to vector<16xi32>
    %add3A_87 = arith.constant 65 : i32
    %add3A_88 = vector.broadcast %add3A_87 : i32 to vector<16xi32>
    %add3A_89 = arith.addi %iota3A, %add3A_88 : vector<16xi32>
    %ne3A_90 = arith.constant 0 : i32
    %ne3A_91 = vector.broadcast %ne3A_90 : i32 to vector<16xi32>
    %ne3A_92 = arith.cmpi ne, %get3A_86, %ne3A_91 : vector<16xi32>
    %jit3A_93 = arith.constant 0 : i32
    %broadcast_in_dim3A_94 = vector.broadcast %jit3A_93 : i32 to vector<16xi32>
    %select_n3A_95 = arith.select %ne3A_92, %add3A_89, %broadcast_in_dim3A_94 : vector<16xi1>, vector<16xi32>
    %max3A_96 = arith.maxsi %max3A_83, %select_n3A_95 : vector<16xi32>
    %get3A_97 = arith.constant 80 : index
    %get3A_98 = tpu.vector_load %arg4[%get3A_97] {strides = array<i32>} : memref<256xi32, #tpu.memory_space<vmem>>, vector<16xi32>,
    %get3A_99 = vector.shape_cast %get3A_98 : vector<16xi32> to vector<16xi32>
    %add3A_100 = arith.constant 81 : i32
    %add3A_101 = vector.broadcast %add3A_100 : i32 to vector<16xi32>
    %add3A_102 = arith.addi %iota3A, %add3A_101 : vector<16xi32>
    %ne3A_103 = arith.constant 0 : i32
    %ne3A_104 = vector.broadcast %ne3A_103 : i32 to vector<16xi32>
    %ne3A_105 = arith.cmpi ne, %get3A_99, %ne3A_104 : vector<16xi32>
    %jit3A_106 = arith.constant 0 : i32
    %broadcast_in_dim3A_107 = vector.broadcast %jit3A_106 : i32 to vector<16xi32>
    %select_n3A_108 = arith.select %ne3A_105, %add3A_102, %broadcast_in_dim3A_107 : vector<16xi1>, vector<16xi32>
    %max3A_109 = arith.maxsi %max3A_96, %select_n3A_108 : vector<16xi32>
    %get3A_110 = arith.constant 96 : index
    %get3A_111 = tpu.vector_load %arg4[%get3A_110] {strides = array<i32>} : memref<256xi32, #tpu.memory_space<vmem>>, vector<16xi32>,
    %get3A_112 = vector.shape_cast %get3A_111 : vector<16xi32> to vector<16xi32>
    %add3A_113 = arith.constant 97 : i32
    %add3A_114 = vector.broadcast %add3A_113 : i32 to vector<16xi32>
    %add3A_115 = arith.addi %iota3A, %add3A_114 : vector<16xi32>
    %ne3A_116 = arith.constant 0 : i32
    %ne3A_117 = vector.broadcast %ne3A_116 : i32 to vector<16xi32>
    %ne3A_118 = arith.cmpi ne, %get3A_112, %ne3A_117 : vector<16xi32>
    %jit3A_119 = arith.constant 0 : i32
    %broadcast_in_dim3A_120 = vector.broadcast %jit3A_119 : i32 to vector<16xi32>
    %select_n3A_121 = arith.select %ne3A_118, %add3A_115, %broadcast_in_dim3A_120 : vector<16xi1>, vector<16xi32>
    %max3A_122 = arith.maxsi %max3A_109, %select_n3A_121 : vector<16xi32>
    %get3A_123 = arith.constant 112 : index
    %get3A_124 = tpu.vector_load %arg4[%get3A_123] {strides = array<i32>} : memref<256xi32, #tpu.memory_space<vmem>>, vector<16xi32>,
    %get3A_125 = vector.shape_cast %get3A_124 : vector<16xi32> to vector<16xi32>
    %add3A_126 = arith.constant 113 : i32
    %add3A_127 = vector.broadcast %add3A_126 : i32 to vector<16xi32>
    %add3A_128 = arith.addi %iota3A, %add3A_127 : vector<16xi32>
    %ne3A_129 = arith.constant 0 : i32
    %ne3A_130 = vector.broadcast %ne3A_129 : i32 to vector<16xi32>
    %ne3A_131 = arith.cmpi ne, %get3A_125, %ne3A_130 : vector<16xi32>
    %jit3A_132 = arith.constant 0 : i32
    %broadcast_in_dim3A_133 = vector.broadcast %jit3A_132 : i32 to vector<16xi32>
    %select_n3A_134 = arith.select %ne3A_131, %add3A_128, %broadcast_in_dim3A_133 : vector<16xi1>, vector<16xi32>
    %max3A_135 = arith.maxsi %max3A_122, %select_n3A_134 : vector<16xi32>
    %get3A_136 = arith.constant 128 : index
    %get3A_137 = tpu.vector_load %arg4[%get3A_136] {strides = array<i32>} : memref<256xi32, #tpu.memory_space<vmem>>, vector<16xi32>,
    %get3A_138 = vector.shape_cast %get3A_137 : vector<16xi32> to vector<16xi32>
    %add3A_139 = arith.constant 129 : i32
    %add3A_140 = vector.broadcast %add3A_139 : i32 to vector<16xi32>
    %add3A_141 = arith.addi %iota3A, %add3A_140 : vector<16xi32>
    %ne3A_142 = arith.constant 0 : i32
    %ne3A_143 = vector.broadcast %ne3A_142 : i32 to vector<16xi32>
    %ne3A_144 = arith.cmpi ne, %get3A_138, %ne3A_143 : vector<16xi32>
    %jit3A_145 = arith.constant 0 : i32
    %broadcast_in_dim3A_146 = vector.broadcast %jit3A_145 : i32 to vector<16xi32>
    %select_n3A_147 = arith.select %ne3A_144, %add3A_141, %broadcast_in_dim3A_146 : vector<16xi1>, vector<16xi32>
    %max3A_148 = arith.maxsi %max3A_135, %select_n3A_147 : vector<16xi32>
    %get3A_149 = arith.constant 144 : index
    %get3A_150 = tpu.vector_load %arg4[%get3A_149] {strides = array<i32>} : memref<256xi32, #tpu.memory_space<vmem>>, vector<16xi32>,
    %get3A_151 = vector.shape_cast %get3A_150 : vector<16xi32> to vector<16xi32>
    %add3A_152 = arith.constant 145 : i32
    %add3A_153 = vector.broadcast %add3A_152 : i32 to vector<16xi32>
    %add3A_154 = arith.addi %iota3A, %add3A_153 : vector<16xi32>
    %ne3A_155 = arith.constant 0 : i32
    %ne3A_156 = vector.broadcast %ne3A_155 : i32 to vector<16xi32>
    %ne3A_157 = arith.cmpi ne, %get3A_151, %ne3A_156 : vector<16xi32>
    %jit3A_158 = arith.constant 0 : i32
    %broadcast_in_dim3A_159 = vector.broadcast %jit3A_158 : i32 to vector<16xi32>
    %select_n3A_160 = arith.select %ne3A_157, %add3A_154, %broadcast_in_dim3A_159 : vector<16xi1>, vector<16xi32>
    %max3A_161 = arith.maxsi %max3A_148, %select_n3A_160 : vector<16xi32>
    %get3A_162 = arith.constant 160 : index
    %get3A_163 = tpu.vector_load %arg4[%get3A_162] {strides = array<i32>} : memref<256xi32, #tpu.memory_space<vmem>>, vector<16xi32>,
    %get3A_164 = vector.shape_cast %get3A_163 : vector<16xi32> to vector<16xi32>
    %add3A_165 = arith.constant 161 : i32
    %add3A_166 = vector.broadcast %add3A_165 : i32 to vector<16xi32>
    %add3A_167 = arith.addi %iota3A, %add3A_166 : vector<16xi32>
    %ne3A_168 = arith.constant 0 : i32
    %ne3A_169 = vector.broadcast %ne3A_168 : i32 to vector<16xi32>
    %ne3A_170 = arith.cmpi ne, %get3A_164, %ne3A_169 : vector<16xi32>
    %jit3A_171 = arith.constant 0 : i32
    %broadcast_in_dim3A_172 = vector.broadcast %jit3A_171 : i32 to vector<16xi32>
    %select_n3A_173 = arith.select %ne3A_170, %add3A_167, %broadcast_in_dim3A_172 : vector<16xi1>, vector<16xi32>
    %max3A_174 = arith.maxsi %max3A_161, %select_n3A_173 : vector<16xi32>
    %get3A_175 = arith.constant 176 : index
    %get3A_176 = tpu.vector_load %arg4[%get3A_175] {strides = array<i32>} : memref<256xi32, #tpu.memory_space<vmem>>, vector<16xi32>,
    %get3A_177 = vector.shape_cast %get3A_176 : vector<16xi32> to vector<16xi32>
    %add3A_178 = arith.constant 177 : i32
    %add3A_179 = vector.broadcast %add3A_178 : i32 to vector<16xi32>
    %add3A_180 = arith.addi %iota3A, %add3A_179 : vector<16xi32>
    %ne3A_181 = arith.constant 0 : i32
    %ne3A_182 = vector.broadcast %ne3A_181 : i32 to vector<16xi32>
    %ne3A_183 = arith.cmpi ne, %get3A_177, %ne3A_182 : vector<16xi32>
    %jit3A_184 = arith.constant 0 : i32
    %broadcast_in_dim3A_185 = vector.broadcast %jit3A_184 : i32 to vector<16xi32>
    %select_n3A_186 = arith.select %ne3A_183, %add3A_180, %broadcast_in_dim3A_185 : vector<16xi1>, vector<16xi32>
    %max3A_187 = arith.maxsi %max3A_174, %select_n3A_186 : vector<16xi32>
    %get3A_188 = arith.constant 192 : index
    %get3A_189 = tpu.vector_load %arg4[%get3A_188] {strides = array<i32>} : memref<256xi32, #tpu.memory_space<vmem>>, vector<16xi32>,
    %get3A_190 = vector.shape_cast %get3A_189 : vector<16xi32> to vector<16xi32>
    %add3A_191 = arith.constant 193 : i32
    %add3A_192 = vector.broadcast %add3A_191 : i32 to vector<16xi32>
    %add3A_193 = arith.addi %iota3A, %add3A_192 : vector<16xi32>
    %ne3A_194 = arith.constant 0 : i32
    %ne3A_195 = vector.broadcast %ne3A_194 : i32 to vector<16xi32>
    %ne3A_196 = arith.cmpi ne, %get3A_190, %ne3A_195 : vector<16xi32>
    %jit3A_197 = arith.constant 0 : i32
    %broadcast_in_dim3A_198 = vector.broadcast %jit3A_197 : i32 to vector<16xi32>
    %select_n3A_199 = arith.select %ne3A_196, %add3A_193, %broadcast_in_dim3A_198 : vector<16xi1>, vector<16xi32>
    %max3A_200 = arith.maxsi %max3A_187, %select_n3A_199 : vector<16xi32>
    %get3A_201 = arith.constant 208 : index
    %get3A_202 = tpu.vector_load %arg4[%get3A_201] {strides = array<i32>} : memref<256xi32, #tpu.memory_space<vmem>>, vector<16xi32>,
    %get3A_203 = vector.shape_cast %get3A_202 : vector<16xi32> to vector<16xi32>
    %add3A_204 = arith.constant 209 : i32
    %add3A_205 = vector.broadcast %add3A_204 : i32 to vector<16xi32>
    %add3A_206 = arith.addi %iota3A, %add3A_205 : vector<16xi32>
    %ne3A_207 = arith.constant 0 : i32
    %ne3A_208 = vector.broadcast %ne3A_207 : i32 to vector<16xi32>
    %ne3A_209 = arith.cmpi ne, %get3A_203, %ne3A_208 : vector<16xi32>
    %jit3A_210 = arith.constant 0 : i32
    %broadcast_in_dim3A_211 = vector.broadcast %jit3A_210 : i32 to vector<16xi32>
    %select_n3A_212 = arith.select %ne3A_209, %add3A_206, %broadcast_in_dim3A_211 : vector<16xi1>, vector<16xi32>
    %max3A_213 = arith.maxsi %max3A_200, %select_n3A_212 : vector<16xi32>
    %get3A_214 = arith.constant 224 : index
    %get3A_215 = tpu.vector_load %arg4[%get3A_214] {strides = array<i32>} : memref<256xi32, #tpu.memory_space<vmem>>, vector<16xi32>,
    %get3A_216 = vector.shape_cast %get3A_215 : vector<16xi32> to vector<16xi32>
    %add3A_217 = arith.constant 225 : i32
    %add3A_218 = vector.broadcast %add3A_217 : i32 to vector<16xi32>
    %add3A_219 = arith.addi %iota3A, %add3A_218 : vector<16xi32>
    %ne3A_220 = arith.constant 0 : i32
    %ne3A_221 = vector.broadcast %ne3A_220 : i32 to vector<16xi32>
    %ne3A_222 = arith.cmpi ne, %get3A_216, %ne3A_221 : vector<16xi32>
    %jit3A_223 = arith.constant 0 : i32
    %broadcast_in_dim3A_224 = vector.broadcast %jit3A_223 : i32 to vector<16xi32>
    %select_n3A_225 = arith.select %ne3A_222, %add3A_219, %broadcast_in_dim3A_224 : vector<16xi1>, vector<16xi32>
    %max3A_226 = arith.maxsi %max3A_213, %select_n3A_225 : vector<16xi32>
    %get3A_227 = arith.constant 240 : index
    %get3A_228 = tpu.vector_load %arg4[%get3A_227] {strides = array<i32>} : memref<256xi32, #tpu.memory_space<vmem>>, vector<16xi32>,
    %get3A_229 = vector.shape_cast %get3A_228 : vector<16xi32> to vector<16xi32>
    %add3A_230 = arith.constant 241 : i32
    %add3A_231 = vector.broadcast %add3A_230 : i32 to vector<16xi32>
    %add3A_232 = arith.addi %iota3A, %add3A_231 : vector<16xi32>
    %ne3A_233 = arith.constant 0 : i32
    %ne3A_234 = vector.broadcast %ne3A_233 : i32 to vector<16xi32>
    %ne3A_235 = arith.cmpi ne, %get3A_229, %ne3A_234 : vector<16xi32>
    %jit3A_236 = arith.constant 0 : i32
    %broadcast_in_dim3A_237 = vector.broadcast %jit3A_236 : i32 to vector<16xi32>
    %select_n3A_238 = arith.select %ne3A_235, %add3A_232, %broadcast_in_dim3A_237 : vector<16xi1>, vector<16xi32>
    %max3A_239 = arith.maxsi %max3A_226, %select_n3A_238 : vector<16xi32>
    %xor3A = arith.constant 8 : i32
    %xor3A_240 = vector.broadcast %xor3A : i32 to vector<16xi32>
    %xor3A_241 = arith.xori %iota3A, %xor3A_240 : vector<16xi32>
    %broadcast_in_dim3A_242 = vector.shape_cast %xor3A_241 : vector<16xi32> to vector<16x1xi32>
    %gather3A = vector.shape_cast %broadcast_in_dim3A_242 : vector<16x1xi32> to vector<16xi32>
    %gather3A_243 = tpu.dynamic_gather %max3A_239[%gather3A] in [0] : vector<16xi32>, vector<16xi32> -> vector<16xi32>
    %max3A_244 = arith.maxsi %max3A_239, %gather3A_243 : vector<16xi32>
    %xor3A_245 = arith.constant 4 : i32
    %xor3A_246 = vector.broadcast %xor3A_245 : i32 to vector<16xi32>
    %xor3A_247 = arith.xori %iota3A, %xor3A_246 : vector<16xi32>
    %broadcast_in_dim3A_248 = vector.shape_cast %xor3A_247 : vector<16xi32> to vector<16x1xi32>
    %gather3A_249 = vector.shape_cast %broadcast_in_dim3A_248 : vector<16x1xi32> to vector<16xi32>
    %gather3A_250 = tpu.dynamic_gather %max3A_244[%gather3A_249] in [0] : vector<16xi32>, vector<16xi32> -> vector<16xi32>
    %max3A_251 = arith.maxsi %max3A_244, %gather3A_250 : vector<16xi32>
    %xor3A_252 = arith.constant 2 : i32
    %xor3A_253 = vector.broadcast %xor3A_252 : i32 to vector<16xi32>
    %xor3A_254 = arith.xori %iota3A, %xor3A_253 : vector<16xi32>
    %broadcast_in_dim3A_255 = vector.shape_cast %xor3A_254 : vector<16xi32> to vector<16x1xi32>
    %gather3A_256 = vector.shape_cast %broadcast_in_dim3A_255 : vector<16x1xi32> to vector<16xi32>
    %gather3A_257 = tpu.dynamic_gather %max3A_251[%gather3A_256] in [0] : vector<16xi32>, vector<16xi32> -> vector<16xi32>
    %max3A_258 = arith.maxsi %max3A_251, %gather3A_257 : vector<16xi32>
    %xor3A_259 = arith.constant 1 : i32
    %xor3A_260 = vector.broadcast %xor3A_259 : i32 to vector<16xi32>
    %xor3A_261 = arith.xori %iota3A, %xor3A_260 : vector<16xi32>
    %broadcast_in_dim3A_262 = vector.shape_cast %xor3A_261 : vector<16xi32> to vector<16x1xi32>
    %gather3A_263 = vector.shape_cast %broadcast_in_dim3A_262 : vector<16x1xi32> to vector<16xi32>
    %gather3A_264 = tpu.dynamic_gather %max3A_258[%gather3A_263] in [0] : vector<16xi32>, vector<16xi32> -> vector<16xi32>
    %max3A_265 = arith.maxsi %max3A_258, %gather3A_264 : vector<16xi32>
    %add3A_266 = arith.constant 0 : i32
    %add3A_267 = vector.broadcast %add3A_266 : i32 to vector<16xi32>
    %add3A_268 = arith.addi %iota3A, %add3A_267 : vector<16xi32>
    %lt3A_269 = arith.cmpi slt, %add3A_268, %max3A_265 : vector<16xi32>
    %jit3A_270 = arith.constant 0 : i32
    %broadcast_in_dim3A_271 = vector.broadcast %jit3A_270 : i32 to vector<16xi32>
    %select_n3A_272 = arith.select %lt3A_269, %get3A_35, %broadcast_in_dim3A_271 : vector<16xi1>, vector<16xi32>
    %swap3A = arith.constant 0 : index
    %swap3A_273 = tpu.vector_load %arg4[%swap3A] {strides = array<i32>} : memref<256xi32, #tpu.memory_space<vmem>>, vector<16xi32>,
    %swap3A_274 = vector.shape_cast %swap3A_273 : vector<16xi32> to vector<16xi32>
    %swap3A_275 = vector.shape_cast %select_n3A_272 : vector<16xi32> to vector<16xi32>
    tpu.vector_store %arg4[%swap3A], %swap3A_275 {strides = array<i32>} : memref<256xi32, #tpu.memory_space<vmem>>, vector<16xi32>,
    %add3A_276 = arith.constant 16 : i32
    %add3A_277 = vector.broadcast %add3A_276 : i32 to vector<16xi32>
    %add3A_278 = arith.addi %iota3A, %add3A_277 : vector<16xi32>
    %lt3A_279 = arith.cmpi slt, %add3A_278, %max3A_265 : vector<16xi32>
    %jit3A_280 = arith.constant 0 : i32
    %broadcast_in_dim3A_281 = vector.broadcast %jit3A_280 : i32 to vector<16xi32>
    %select_n3A_282 = arith.select %lt3A_279, %get3A_47, %broadcast_in_dim3A_281 : vector<16xi1>, vector<16xi32>
    %swap3A_283 = arith.constant 16 : index
    %swap3A_284 = tpu.vector_load %arg4[%swap3A_283] {strides = array<i32>} : memref<256xi32, #tpu.memory_space<vmem>>, vector<16xi32>,
    %swap3A_285 = vector.shape_cast %swap3A_284 : vector<16xi32> to vector<16xi32>
    %swap3A_286 = vector.shape_cast %select_n3A_282 : vector<16xi32> to vector<16xi32>
    tpu.vector_store %arg4[%swap3A_283], %swap3A_286 {strides = array<i32>} : memref<256xi32, #tpu.memory_space<vmem>>, vector<16xi32>,
    %add3A_287 = arith.constant 32 : i32
    %add3A_288 = vector.broadcast %add3A_287 : i32 to vector<16xi32>
    %add3A_289 = arith.addi %iota3A, %add3A_288 : vector<16xi32>
    %lt3A_290 = arith.cmpi slt, %add3A_289, %max3A_265 : vector<16xi32>
    %jit3A_291 = arith.constant 0 : i32
    %broadcast_in_dim3A_292 = vector.broadcast %jit3A_291 : i32 to vector<16xi32>
    %select_n3A_293 = arith.select %lt3A_290, %get3A_60, %broadcast_in_dim3A_292 : vector<16xi1>, vector<16xi32>
    %swap3A_294 = arith.constant 32 : index
    %swap3A_295 = tpu.vector_load %arg4[%swap3A_294] {strides = array<i32>} : memref<256xi32, #tpu.memory_space<vmem>>, vector<16xi32>,
    %swap3A_296 = vector.shape_cast %swap3A_295 : vector<16xi32> to vector<16xi32>
    %swap3A_297 = vector.shape_cast %select_n3A_293 : vector<16xi32> to vector<16xi32>
    tpu.vector_store %arg4[%swap3A_294], %swap3A_297 {strides = array<i32>} : memref<256xi32, #tpu.memory_space<vmem>>, vector<16xi32>,
    %add3A_298 = arith.constant 48 : i32
    %add3A_299 = vector.broadcast %add3A_298 : i32 to vector<16xi32>
    %add3A_300 = arith.addi %iota3A, %add3A_299 : vector<16xi32>
    %lt3A_301 = arith.cmpi slt, %add3A_300, %max3A_265 : vector<16xi32>
    %jit3A_302 = arith.constant 0 : i32
    %broadcast_in_dim3A_303 = vector.broadcast %jit3A_302 : i32 to vector<16xi32>
    %select_n3A_304 = arith.select %lt3A_301, %get3A_73, %broadcast_in_dim3A_303 : vector<16xi1>, vector<16xi32>
    %swap3A_305 = arith.constant 48 : index
    %swap3A_306 = tpu.vector_load %arg4[%swap3A_305] {strides = array<i32>} : memref<256xi32, #tpu.memory_space<vmem>>, vector<16xi32>,
    %swap3A_307 = vector.shape_cast %swap3A_306 : vector<16xi32> to vector<16xi32>
    %swap3A_308 = vector.shape_cast %select_n3A_304 : vector<16xi32> to vector<16xi32>
    tpu.vector_store %arg4[%swap3A_305], %swap3A_308 {strides = array<i32>} : memref<256xi32, #tpu.memory_space<vmem>>, vector<16xi32>,
    %add3A_309 = arith.constant 64 : i32
    %add3A_310 = vector.broadcast %add3A_309 : i32 to vector<16xi32>
    %add3A_311 = arith.addi %iota3A, %add3A_310 : vector<16xi32>
    %lt3A_312 = arith.cmpi slt, %add3A_311, %max3A_265 : vector<16xi32>
    %jit3A_313 = arith.constant 0 : i32
    %broadcast_in_dim3A_314 = vector.broadcast %jit3A_313 : i32 to vector<16xi32>
    %select_n3A_315 = arith.select %lt3A_312, %get3A_86, %broadcast_in_dim3A_314 : vector<16xi1>, vector<16xi32>
    %swap3A_316 = arith.constant 64 : index
    %swap3A_317 = tpu.vector_load %arg4[%swap3A_316] {strides = array<i32>} : memref<256xi32, #tpu.memory_space<vmem>>, vector<16xi32>,
    %swap3A_318 = vector.shape_cast %swap3A_317 : vector<16xi32> to vector<16xi32>
    %swap3A_319 = vector.shape_cast %select_n3A_315 : vector<16xi32> to vector<16xi32>
    tpu.vector_store %arg4[%swap3A_316], %swap3A_319 {strides = array<i32>} : memref<256xi32, #tpu.memory_space<vmem>>, vector<16xi32>,
    %add3A_320 = arith.constant 80 : i32
    %add3A_321 = vector.broadcast %add3A_320 : i32 to vector<16xi32>
    %add3A_322 = arith.addi %iota3A, %add3A_321 : vector<16xi32>
    %lt3A_323 = arith.cmpi slt, %add3A_322, %max3A_265 : vector<16xi32>
    %jit3A_324 = arith.constant 0 : i32
    %broadcast_in_dim3A_325 = vector.broadcast %jit3A_324 : i32 to vector<16xi32>
    %select_n3A_326 = arith.select %lt3A_323, %get3A_99, %broadcast_in_dim3A_325 : vector<16xi1>, vector<16xi32>
    %swap3A_327 = arith.constant 80 : index
    %swap3A_328 = tpu.vector_load %arg4[%swap3A_327] {strides = array<i32>} : memref<256xi32, #tpu.memory_space<vmem>>, vector<16xi32>,
    %swap3A_329 = vector.shape_cast %swap3A_328 : vector<16xi32> to vector<16xi32>
    %swap3A_330 = vector.shape_cast %select_n3A_326 : vector<16xi32> to vector<16xi32>
    tpu.vector_store %arg4[%swap3A_327], %swap3A_330 {strides = array<i32>} : memref<256xi32, #tpu.memory_space<vmem>>, vector<16xi32>,
    %add3A_331 = arith.constant 96 : i32
    %add3A_332 = vector.broadcast %add3A_331 : i32 to vector<16xi32>
    %add3A_333 = arith.addi %iota3A, %add3A_332 : vector<16xi32>
    %lt3A_334 = arith.cmpi slt, %add3A_333, %max3A_265 : vector<16xi32>
    %jit3A_335 = arith.constant 0 : i32
    %broadcast_in_dim3A_336 = vector.broadcast %jit3A_335 : i32 to vector<16xi32>
    %select_n3A_337 = arith.select %lt3A_334, %get3A_112, %broadcast_in_dim3A_336 : vector<16xi1>, vector<16xi32>
    %swap3A_338 = arith.constant 96 : index
    %swap3A_339 = tpu.vector_load %arg4[%swap3A_338] {strides = array<i32>} : memref<256xi32, #tpu.memory_space<vmem>>, vector<16xi32>,
    %swap3A_340 = vector.shape_cast %swap3A_339 : vector<16xi32> to vector<16xi32>
    %swap3A_341 = vector.shape_cast %select_n3A_337 : vector<16xi32> to vector<16xi32>
    tpu.vector_store %arg4[%swap3A_338], %swap3A_341 {strides = array<i32>} : memref<256xi32, #tpu.memory_space<vmem>>, vector<16xi32>,
    %add3A_342 = arith.constant 112 : i32
    %add3A_343 = vector.broadcast %add3A_342 : i32 to vector<16xi32>
    %add3A_344 = arith.addi %iota3A, %add3A_343 : vector<16xi32>
    %lt3A_345 = arith.cmpi slt, %add3A_344, %max3A_265 : vector<16xi32>
    %jit3A_346 = arith.constant 0 : i32
    %broadcast_in_dim3A_347 = vector.broadcast %jit3A_346 : i32 to vector<16xi32>
    %select_n3A_348 = arith.select %lt3A_345, %get3A_125, %broadcast_in_dim3A_347 : vector<16xi1>, vector<16xi32>
    %swap3A_349 = arith.constant 112 : index
    %swap3A_350 = tpu.vector_load %arg4[%swap3A_349] {strides = array<i32>} : memref<256xi32, #tpu.memory_space<vmem>>, vector<16xi32>,
    %swap3A_351 = vector.shape_cast %swap3A_350 : vector<16xi32> to vector<16xi32>
    %swap3A_352 = vector.shape_cast %select_n3A_348 : vector<16xi32> to vector<16xi32>
    tpu.vector_store %arg4[%swap3A_349], %swap3A_352 {strides = array<i32>} : memref<256xi32, #tpu.memory_space<vmem>>, vector<16xi32>,
    %add3A_353 = arith.constant 128 : i32
    %add3A_354 = vector.broadcast %add3A_353 : i32 to vector<16xi32>
    %add3A_355 = arith.addi %iota3A, %add3A_354 : vector<16xi32>
    %lt3A_356 = arith.cmpi slt, %add3A_355, %max3A_265 : vector<16xi32>
    %jit3A_357 = arith.constant 0 : i32
    %broadcast_in_dim3A_358 = vector.broadcast %jit3A_357 : i32 to vector<16xi32>
    %select_n3A_359 = arith.select %lt3A_356, %get3A_138, %broadcast_in_dim3A_358 : vector<16xi1>, vector<16xi32>
    %swap3A_360 = arith.constant 128 : index
    %swap3A_361 = tpu.vector_load %arg4[%swap3A_360] {strides = array<i32>} : memref<256xi32, #tpu.memory_space<vmem>>, vector<16xi32>,
    %swap3A_362 = vector.shape_cast %swap3A_361 : vector<16xi32> to vector<16xi32>
    %swap3A_363 = vector.shape_cast %select_n3A_359 : vector<16xi32> to vector<16xi32>
    tpu.vector_store %arg4[%swap3A_360], %swap3A_363 {strides = array<i32>} : memref<256xi32, #tpu.memory_space<vmem>>, vector<16xi32>,
    %add3A_364 = arith.constant 144 : i32
    %add3A_365 = vector.broadcast %add3A_364 : i32 to vector<16xi32>
    %add3A_366 = arith.addi %iota3A, %add3A_365 : vector<16xi32>
    %lt3A_367 = arith.cmpi slt, %add3A_366, %max3A_265 : vector<16xi32>
    %jit3A_368 = arith.constant 0 : i32
    %broadcast_in_dim3A_369 = vector.broadcast %jit3A_368 : i32 to vector<16xi32>
    %select_n3A_370 = arith.select %lt3A_367, %get3A_151, %broadcast_in_dim3A_369 : vector<16xi1>, vector<16xi32>
    %swap3A_371 = arith.constant 144 : index
    %swap3A_372 = tpu.vector_load %arg4[%swap3A_371] {strides = array<i32>} : memref<256xi32, #tpu.memory_space<vmem>>, vector<16xi32>,
    %swap3A_373 = vector.shape_cast %swap3A_372 : vector<16xi32> to vector<16xi32>
    %swap3A_374 = vector.shape_cast %select_n3A_370 : vector<16xi32> to vector<16xi32>
    tpu.vector_store %arg4[%swap3A_371], %swap3A_374 {strides = array<i32>} : memref<256xi32, #tpu.memory_space<vmem>>, vector<16xi32>,
    %add3A_375 = arith.constant 160 : i32
    %add3A_376 = vector.broadcast %add3A_375 : i32 to vector<16xi32>
    %add3A_377 = arith.addi %iota3A, %add3A_376 : vector<16xi32>
    %lt3A_378 = arith.cmpi slt, %add3A_377, %max3A_265 : vector<16xi32>
    %jit3A_379 = arith.constant 0 : i32
    %broadcast_in_dim3A_380 = vector.broadcast %jit3A_379 : i32 to vector<16xi32>
    %select_n3A_381 = arith.select %lt3A_378, %get3A_164, %broadcast_in_dim3A_380 : vector<16xi1>, vector<16xi32>
    %swap3A_382 = arith.constant 160 : index
    %swap3A_383 = tpu.vector_load %arg4[%swap3A_382] {strides = array<i32>} : memref<256xi32, #tpu.memory_space<vmem>>, vector<16xi32>,
    %swap3A_384 = vector.shape_cast %swap3A_383 : vector<16xi32> to vector<16xi32>
    %swap3A_385 = vector.shape_cast %select_n3A_381 : vector<16xi32> to vector<16xi32>
    tpu.vector_store %arg4[%swap3A_382], %swap3A_385 {strides = array<i32>} : memref<256xi32, #tpu.memory_space<vmem>>, vector<16xi32>,
    %add3A_386 = arith.constant 176 : i32
    %add3A_387 = vector.broadcast %add3A_386 : i32 to vector<16xi32>
    %add3A_388 = arith.addi %iota3A, %add3A_387 : vector<16xi32>
    %lt3A_389 = arith.cmpi slt, %add3A_388, %max3A_265 : vector<16xi32>
    %jit3A_390 = arith.constant 0 : i32
    %broadcast_in_dim3A_391 = vector.broadcast %jit3A_390 : i32 to vector<16xi32>
    %select_n3A_392 = arith.select %lt3A_389, %get3A_177, %broadcast_in_dim3A_391 : vector<16xi1>, vector<16xi32>
    %swap3A_393 = arith.constant 176 : index
    %swap3A_394 = tpu.vector_load %arg4[%swap3A_393] {strides = array<i32>} : memref<256xi32, #tpu.memory_space<vmem>>, vector<16xi32>,
    %swap3A_395 = vector.shape_cast %swap3A_394 : vector<16xi32> to vector<16xi32>
    %swap3A_396 = vector.shape_cast %select_n3A_392 : vector<16xi32> to vector<16xi32>
    tpu.vector_store %arg4[%swap3A_393], %swap3A_396 {strides = array<i32>} : memref<256xi32, #tpu.memory_space<vmem>>, vector<16xi32>,
    %add3A_397 = arith.constant 192 : i32
    %add3A_398 = vector.broadcast %add3A_397 : i32 to vector<16xi32>
    %add3A_399 = arith.addi %iota3A, %add3A_398 : vector<16xi32>
    %lt3A_400 = arith.cmpi slt, %add3A_399, %max3A_265 : vector<16xi32>
    %jit3A_401 = arith.constant 0 : i32
    %broadcast_in_dim3A_402 = vector.broadcast %jit3A_401 : i32 to vector<16xi32>
    %select_n3A_403 = arith.select %lt3A_400, %get3A_190, %broadcast_in_dim3A_402 : vector<16xi1>, vector<16xi32>
    %swap3A_404 = arith.constant 192 : index
    %swap3A_405 = tpu.vector_load %arg4[%swap3A_404] {strides = array<i32>} : memref<256xi32, #tpu.memory_space<vmem>>, vector<16xi32>,
    %swap3A_406 = vector.shape_cast %swap3A_405 : vector<16xi32> to vector<16xi32>
    %swap3A_407 = vector.shape_cast %select_n3A_403 : vector<16xi32> to vector<16xi32>
    tpu.vector_store %arg4[%swap3A_404], %swap3A_407 {strides = array<i32>} : memref<256xi32, #tpu.memory_space<vmem>>, vector<16xi32>,
    %add3A_408 = arith.constant 208 : i32
    %add3A_409 = vector.broadcast %add3A_408 : i32 to vector<16xi32>
    %add3A_410 = arith.addi %iota3A, %add3A_409 : vector<16xi32>
    %lt3A_411 = arith.cmpi slt, %add3A_410, %max3A_265 : vector<16xi32>
    %jit3A_412 = arith.constant 0 : i32
    %broadcast_in_dim3A_413 = vector.broadcast %jit3A_412 : i32 to vector<16xi32>
    %select_n3A_414 = arith.select %lt3A_411, %get3A_203, %broadcast_in_dim3A_413 : vector<16xi1>, vector<16xi32>
    %swap3A_415 = arith.constant 208 : index
    %swap3A_416 = tpu.vector_load %arg4[%swap3A_415] {strides = array<i32>} : memref<256xi32, #tpu.memory_space<vmem>>, vector<16xi32>,
    %swap3A_417 = vector.shape_cast %swap3A_416 : vector<16xi32> to vector<16xi32>
    %swap3A_418 = vector.shape_cast %select_n3A_414 : vector<16xi32> to vector<16xi32>
    tpu.vector_store %arg4[%swap3A_415], %swap3A_418 {strides = array<i32>} : memref<256xi32, #tpu.memory_space<vmem>>, vector<16xi32>,
    %add3A_419 = arith.constant 224 : i32
    %add3A_420 = vector.broadcast %add3A_419 : i32 to vector<16xi32>
    %add3A_421 = arith.addi %iota3A, %add3A_420 : vector<16xi32>
    %lt3A_422 = arith.cmpi slt, %add3A_421, %max3A_265 : vector<16xi32>
    %jit3A_423 = arith.constant 0 : i32
    %broadcast_in_dim3A_424 = vector.broadcast %jit3A_423 : i32 to vector<16xi32>
    %select_n3A_425 = arith.select %lt3A_422, %get3A_216, %broadcast_in_dim3A_424 : vector<16xi1>, vector<16xi32>
    %swap3A_426 = arith.constant 224 : index
    %swap3A_427 = tpu.vector_load %arg4[%swap3A_426] {strides = array<i32>} : memref<256xi32, #tpu.memory_space<vmem>>, vector<16xi32>,
    %swap3A_428 = vector.shape_cast %swap3A_427 : vector<16xi32> to vector<16xi32>
    %swap3A_429 = vector.shape_cast %select_n3A_425 : vector<16xi32> to vector<16xi32>
    tpu.vector_store %arg4[%swap3A_426], %swap3A_429 {strides = array<i32>} : memref<256xi32, #tpu.memory_space<vmem>>, vector<16xi32>,
    %add3A_430 = arith.constant 240 : i32
    %add3A_431 = vector.broadcast %add3A_430 : i32 to vector<16xi32>
    %add3A_432 = arith.addi %iota3A, %add3A_431 : vector<16xi32>
    %lt3A_433 = arith.cmpi slt, %add3A_432, %max3A_265 : vector<16xi32>
    %jit3A_434 = arith.constant 0 : i32
    %broadcast_in_dim3A_435 = vector.broadcast %jit3A_434 : i32 to vector<16xi32>
    %select_n3A_436 = arith.select %lt3A_433, %get3A_229, %broadcast_in_dim3A_435 : vector<16xi1>, vector<16xi32>
    %swap3A_437 = arith.constant 240 : index
    %swap3A_438 = tpu.vector_load %arg4[%swap3A_437] {strides = array<i32>} : memref<256xi32, #tpu.memory_space<vmem>>, vector<16xi32>,
    %swap3A_439 = vector.shape_cast %swap3A_438 : vector<16xi32> to vector<16xi32>
    %swap3A_440 = vector.shape_cast %select_n3A_436 : vector<16xi32> to vector<16xi32>
    tpu.vector_store %arg4[%swap3A_437], %swap3A_440 {strides = array<i32>} : memref<256xi32, #tpu.memory_space<vmem>>, vector<16xi32>,
    "tpu.region"() ({
      %run_scoped3A = tpu.sem_alloc : memref<!tpu.dma_semaphore, #tpu.memory_space<semaphore_mem>>
      %dma_start3A = tpu.memref_slice %arg3[%select_n3A, %mul3A_32] : memref<16x512xi32, #tpu.memory_space<hbm>> -> memref<1x256xi32, #tpu.memory_space<hbm>>
      %dma_start3A_441 = tpu.memref_squeeze %dma_start3A : memref<1x256xi32, #tpu.memory_space<hbm>> -> memref<256xi32, #tpu.memory_space<hbm>>
      %dma_start3A_442 = tpu.memref_slice %arg3[%select_n3A, %mul3A_32] : memref<16x512xi32, #tpu.memory_space<hbm>> -> memref<1x256xi32, #tpu.memory_space<hbm>>
      %dma_start3A_443 = tpu.memref_squeeze %dma_start3A_442 : memref<1x256xi32, #tpu.memory_space<hbm>> -> memref<256xi32, #tpu.memory_space<hbm>>
      tpu.enqueue_dma source(%arg4 : memref<256xi32, #tpu.memory_space<vmem>>) target(%dma_start3A_443 : memref<256xi32, #tpu.memory_space<hbm>>) target_semaphore(%run_scoped3A : memref<!tpu.dma_semaphore, #tpu.memory_space<semaphore_mem>>)
      %dma_wait3A = tpu.memref_slice %arg3[%select_n3A, %mul3A_32] : memref<16x512xi32, #tpu.memory_space<hbm>> -> memref<1x256xi32, #tpu.memory_space<hbm>>
      %dma_wait3A_444 = tpu.memref_squeeze %dma_wait3A : memref<1x256xi32, #tpu.memory_space<hbm>> -> memref<256xi32, #tpu.memory_space<hbm>>
      %dma_wait3A_445 = tpu.memref_slice %arg3[%select_n3A, %mul3A_32] : memref<16x512xi32, #tpu.memory_space<hbm>> -> memref<1x256xi32, #tpu.memory_space<hbm>>
      %dma_wait3A_446 = tpu.memref_squeeze %dma_wait3A_445 : memref<1x256xi32, #tpu.memory_space<hbm>> -> memref<256xi32, #tpu.memory_space<hbm>>
      tpu.wait_dma2 semaphore(%run_scoped3A : memref<!tpu.dma_semaphore, #tpu.memory_space<semaphore_mem>>) src(%arg4 : memref<256xi32, #tpu.memory_space<vmem>>) dst(%dma_wait3A_446 : memref<256xi32, #tpu.memory_space<hbm>>)
      tpu.yield
    }) : () -> ()
    return
  }
}

</mosaic_0001>

<sc_bundles>
// kernel: kernel.3.cloned.1.call-start
scs
__scs_entry_jumppad:
0x0: {  	(pc) =	sbr.rel $0x88, $3  }
0x1: {  	(tag) =	ssettag $0x0;
	lr =	simm.s32 $0x1  }
0x2: {  	[smem:$0x3FA0] =	sst lr;
	_ =	strace $0xD0000000  }
0x3: {  	_ = 	snop  }
0x4: {  	_ = 	snop  }
0x5: {  	_ = 	snop  }
0x6: {  	_ = 	snop  }
0x7: {  	_ = 	snop  }
__scs_overlays_trampoline_lowered:
0x8: {  	[smem:$0x3FAF] =	sst s0  }
0x9: {  	[smem:$0x3FB0] =	sst s1  }
0xa: {  	[smem:$0x3FB1] =	sst s2  }
0xb: {  	[smem:$0x3FB2] =	sst s3  }
0xc: {  	[smem:$0x3FB3] =	sst s4  }
0xd: {  	[smem:$0x3FB4] =	sst s5  }
0xe: {  	[smem:$0x3FB5] =	sst s6  }
0xf: {  	[smem:$0x3FB6] =	sst s7  }
0x10: {  	[smem:$0x3FB7] =	sst s8  }
0x11: {  	[smem:$0x3FB8] =	sst s9;
	s0 =	simm.s32 @!p0 $0x0  }
0x12: {  	s1 =	sld [smem:$0x3F9E];
	s0 =	simm.s32 @p0 $0x1  }
0x13: {  	[smem:$0x3FB9] =	sst s0;
	s0 =	simm.s32 @!p1 $0x0  }
0x14: {  	s2 =	sld [smem:$0x3F9D];
	s0 =	simm.s32 @p1 $0x1  }
0x15: {  	[smem:$0x3FBA] =	sst s0;
	s0 =	simm.s32 @!p2 $0x0  }
0x16: {  	s3 =	sld [smem:$0x3FDB];
	s0 =	simm.s32 @p2 $0x1  }
0x17: {  	s4 =	simm.s32 $0x1BF5;
	[smem:$0x3FBC] =	sst s0  }
0x18: {  	s0 =	sld [smem:$0x3F9F];
	_ =	swait.ge [sflag:s4], $0x0  }
0x19: {  	s7 =	sld [smem:$0x3FA0]  }
0x1a: {  	s8 =	sadd.s32 $0xFFFFE003, lr  }
0x1b: {  	s9 =	sadd.s32 $0xFFFFFEF7, lr;
	s5 =	simm.s32 $0xFFFFFFFF;
	p2 =	slt.u32 s8, $0xFFFFF086  }
0x1c: {  	p1 =	slt.u32 s9, $0xF7A;
	s5 =	simm.s32 @!p2 $0x0  }
0x1d: {  	s5 =	simm.s32 @p1 $0x1;
	p0 =	seq.s32 s7, s2  }
0x1e: {  	s7 =	smul.u32 @!p0 $0xF7A, s2;
	p2 =	seq.s32 @!p0 s5, $0x0  }
0x1f: {  	s9 =	smul.u32 $0xF7A, s1;
	s8 =	simm.s32 @!p0 $0x1BF5;
	p2 =	por !p2, p0  }
0x20: {  	[sflag:s8] =	ssyncset.s32 @!p0 $0xFFFFF086;
	s6 =	sadd.s32 @!p0 s3, s7;
	s7 =	simm.s32 @!p0 $0x108  }
0x21: {  	s3 =	sadd.s32 s3, s9;
	s6 =	sadd.s32 @!p0 $0x88, s6;
	s7 =	simm.s32 @p2 $0x1082  }
0x22: {  	[simem:s7], [sflag:s8] =	dma.local @!p0 [hbm:s6], $0xF7A  }
0x23: {  	s9 =	sor.u32 $0xD0000000, s2;
	s6 =	simm.s32 $0x108;
	_ =	swait.ge @!p0 [sflag:s8], $0x0  }
0x24: {  	s3 =	sadd.s32 $0x88, s3;
	s6 =	simm.s32 @!p1 $0x1082;
	[sflag:s4] =	ssyncset.s32 $0xFFFFF086  }
0x25: {  	[simem:s6], [sflag:s4] =	dma.local [hbm:s3], $0xF7A  }
0x26: {  	[smem:$0x3FA0] =	sst s1;
	(tag) =	ssettag s2;
	_ =	strace s9  }
0x27: {  	s1 =	sld [smem:$0x3FB0]  }
0x28: {  	s2 =	sld [smem:$0x3FB1]  }
0x29: {  	s4 =	sld [smem:$0x3FB3]  }
0x2a: {  	p0 =	seq.s32 s5, $0x0;
	s5 =	sld [smem:$0x3FB4]  }
0x2b: {  	s6 =	sld [smem:$0x3FB5]  }
0x2c: {  	s7 =	sld [smem:$0x3FB6]  }
0x2d: {  	s3 =	simm.s32 $0x108;
	s8 =	sld [smem:$0x3FB7]  }
0x2e: {  	s3 =	simm.s32 @!p0 $0x1082;
	s9 =	sld [smem:$0x3FB8]  }
0x2f: {  	lr =	sadd.s32 s0, s3;
	s0 =	sld [smem:$0x3FAF]  }
0x30: {  	s3 =	sld [smem:$0x3FB2]  }
0x31: {  	[smem:$0x3FBB] =	sst s10  }
0x32: {  	s10 =	sld [smem:$0x3FB9];
	_ =	sdelay $0x3  }
0x33: {  	p0 =	seq.s32 s10, $0x1;
	s10 =	sld [smem:$0x3FBB];
	_ =	sdelay $0x3  }
0x34: {  	[smem:$0x3FBB] =	sst s10  }
0x35: {  	s10 =	sld [smem:$0x3FBA];
	_ =	sdelay $0x3  }
0x36: {  	p1 =	seq.s32 s10, $0x1;
	s10 =	sld [smem:$0x3FBB];
	_ =	sdelay $0x3  }
0x37: {  	[smem:$0x3FBB] =	sst s10  }
0x38: {  	s10 =	sld [smem:$0x3FBC]  }
0x39: {  	_ = 	snop;
	(pc) =	sbr.ind lr, $3  }
0x3a: {  	_ = 	snop  }
0x3b: {  	_ = 	snop  }
0x3c: {  	p2 =	seq.s32 s10, $0x1;
	s10 =	sld [smem:$0x3FBB]  }
0x3d: {  	_ =	shalt  }
0x3e: {  	_ =	shalt  }
0x3f: {  	_ =	shalt  }
0x40: {  	_ =	shalt  }
0x41: {  	_ =	shalt  }
0x42: {  	_ =	shalt  }
0x43: {  	_ =	shalt  }
0x44: {  	_ =	shalt  }
0x45: {  	_ =	shalt  }
0x46: {  	_ =	shalt  }
0x47: {  	_ =	shalt  }
0x48: {  	_ =	shalt  }
0x49: {  	_ =	shalt  }
0x4a: {  	_ =	shalt  }
0x4b: {  	_ =	shalt  }
0x4c: {  	_ =	shalt  }
0x4d: {  	_ =	shalt  }
0x4e: {  	_ =	shalt  }
0x4f: {  	_ =	shalt  }
0x50: {  	_ =	shalt  }
0x51: {  	_ =	shalt  }
0x52: {  	_ =	shalt  }
0x53: {  	_ =	shalt  }
0x54: {  	_ =	shalt  }
0x55: {  	_ =	shalt  }
0x56: {  	_ =	shalt  }
0x57: {  	_ =	shalt  }
0x58: {  	_ =	shalt  }
0x59: {  	_ =	shalt  }
0x5a: {  	_ =	shalt  }
0x5b: {  	_ =	shalt  }
0x5c: {  	_ =	shalt  }
0x5d: {  	_ =	shalt  }
0x5e: {  	_ =	shalt  }
0x5f: {  	_ =	shalt  }
0x60: {  	_ =	shalt  }
0x61: {  	_ =	shalt  }
0x62: {  	_ =	shalt  }
0x63: {  	_ =	shalt  }
0x64: {  	_ =	shalt  }
0x65: {  	_ =	shalt  }
0x66: {  	_ =	shalt  }
0x67: {  	_ =	shalt  }
0x68: {  	_ =	shalt  }
0x69: {  	_ =	shalt  }
0x6a: {  	_ =	shalt  }
0x6b: {  	_ =	shalt  }
0x6c: {  	_ =	shalt  }
0x6d: {  	_ =	shalt  }
0x6e: {  	_ =	shalt  }
0x6f: {  	_ =	shalt  }
0x70: {  	_ =	shalt  }
0x71: {  	_ =	shalt  }
0x72: {  	_ =	shalt  }
0x73: {  	_ =	shalt  }
0x74: {  	_ =	shalt  }
0x75: {  	_ =	shalt  }
0x76: {  	_ =	shalt  }
0x77: {  	_ =	shalt  }
0x78: {  	_ =	shalt  }
0x79: {  	_ =	shalt  }
0x7a: {  	_ =	shalt  }
0x7b: {  	_ =	shalt  }
0x7c: {  	_ =	shalt  }
0x7d: {  	_ =	shalt  }
0x7e: {  	_ =	shalt  }
0x7f: {  	_ =	shalt  }
0x80: {  	_ =	shalt  }
0x81: {  	_ =	shalt  }
0x82: {  	_ =	shalt  }
0x83: {  	_ =	shalt  }
0x84: {  	_ =	shalt  }
0x85: {  	_ =	shalt  }
0x86: {  	_ =	shalt  }
0x87: {  	_ =	shalt  }
.Lfunc_end0:
.L_simem_size_0:
called_computation_lowered:
.L_overlay_start_0:
0x88: {  	s2 =	sld [smem:$0x3FD9]  }
0x89: {  	s3 =	sld [smem:$0x3FFE];
	_ =	sdelay $0x1  }
0x8a: {  	s1 =	srdreg.scid  }
0x8b: {  	s0 =	sand.u32 $0x1, s1  }
0x8c: {  	s18 =	sshll.u32 s0, $0xA;
	s2 =	sadd.s32 s3, s2  }
0x8d: {  	s2 =	sadd.s32 s2, s18  }
0x8e: {  	[smem:$0x3FC7] =	sst s2  }
0x8f: {  	_ = 	snop  }
0x90: {  	s2 =	sld [smem:$0x3FC9]  }
0x91: {  	s19 =	sld [smem:$0x3FD0];
	(tm) =	ssettm $0x1  }
0x92: {  	s4 =	sld [smem:$0x3FFB];
	_ =	sdelay $0x3  }
0x93: {  	_ =	strace s4  }
0x94: {  	s4 =	sld [smem:$0x3FFC];
	_ =	sdelay $0x3  }
0x95: {  	_ =	strace s4  }
0x96: {  	s4 =	sld [smem:$0x3FFD];
	_ =	sdelay $0x3  }
0x97: {  	_ =	strace s4  }
0x98: {  	_ =	strace $0x8FFFFFFF  }
0x99: {  	s20 =	sld [smem:$0x3FDB];
	_ =	sdelay $0x1  }
0x9a: {  	s5 =	simm.s32 $_scs_section_size  }
0x9b: {  	s6 =	simm.s32 $_size__tile_overlayer_lowered;
	s7 =	simm.s32 $_tile_overlayer_lowered  }
0x9c: {  	s23 =	simm.s32 $0x1BFF;
	s22 =	sshll.u32 s7, $0x1;
	s4 =	sadd.s32 s5, s20  }
0x9d: {  	s8 =	simm.s32 $0x0;
	s21 =	sshll.u32 s6, $0x1;
	s6 =	sadd.s32 s22, s4  }
0x9e: {  	[timem:s8], [sflag:s23] =	dma.local [hbm:s6], s21  }
0x9f: {  	_ =	swait.ge [sflag:s23], s21  }
0xa0: {  	s5 =	ssub.s32 $0x0, s21;
	[sflag:s23] =	ssyncset.done $0x0  }
0xa1: {  	[sflag:s23] =	ssyncadd.s32 s5;
	_ =	sdelay $0x1  }
0xa2: {  	s24 =	simm.s32 $0x1B8B  }
0xa3: {  	_ =	swait.ge [sflag:s24], $0x1  }
0xa4: {  	[sflag:s24] =	ssyncset.done $0x0  }
0xa5: {  	s25 =	simm.s32 $0x1B8E;
	[sflag:s24] =	ssyncadd.s32 $0xFFFFFFFF  }
0xa6: {  	s26 =	simm.s32 $execute0_lowered;
	[smem:$0x3FD2] =	sst s25  }
0xa7: {  	s5 =	sshll.u32 s26, $0x1;
	_ =	strace $0x80000046;
	[dreg:$0x1] =	wrdreg $0xFFFFFFFF  }
0xa8: {  	s28 =	simm.s32 $_size_execute0_lowered;
	s4 =	sadd.s32 s4, s5;
	[dreg:$0x0] =	wrdreg $0x0  }
0xa9: {  	s5 =	sshll.u32 s28, $0x1;
	[dreg:$0x2] =	wrdreg s4  }
0xaa: {  	[dreg:$0x3] =	wrdreg s5  }
0xab: {  	[dreg:$0x4] =	wrdreg $0xC0  }
0xac: {  	_ =	task [dreg:s8], $0x5FFFF  }
0xad: {  	[dreg:$0x1] =	wrdreg $0xFFFFFFFF  }
0xae: {  	[dreg:$0x0] =	wrdreg $0x60  }
0xaf: {  	[dreg:$0x2] =	wrdreg s2  }
0xb0: {  	[dreg:$0x3] =	wrdreg s19  }
0xb1: {  	[dreg:$0x4] =	wrdreg $0x9  }
0xb2: {  	_ =	task.clear_ibuf [dreg:s8], $0x5FFFF;
	_ =	strace $0x90000046  }
0xb3: {  	s29 =	simm.s32 $0x9;
	_ =	strace $0x80000048  }
0xb4: {  	_ =	swait.ge [sflag:s29], $0x1  }
0xb5: {  	[sflag:s29] =	ssyncadd.s32 $0xFFFFFFFF  }
0xb6: {  	_ =	strace $0x90000048  }
0xb7: {  	_ =	sfence  }
0xb8: {  	s30 =	sld [smem:$0x0];
	_ =	sdelay $0x2  }
0xb9: {  	s31 =	sshll.u32 s1, $0xD;
	s1 =	sshrl.u32 s1, $0x2  }
0xba: {  	s3 =	sand.u32 $0x4000, s31;
	s1 =	sadd.s32 s1, s30  }
0xbb: {  	s0 =	sor.u32 s3, s0;
	s1 =	sshll.u32 s1, $0x11  }
0xbc: {  	s0 =	sor.u32 s1, s0  }
0xbd: {  	s0 =	sadd.s32 $0x8F2B, s0  }
0xbe: {  	[sflag:s0] =	ssyncadd.remote.s32 $0x1  }
0xbf: {  	_ =	sfence.sel $0xFFFF  }
0xc0: {  	[dreg:$0x0] =	wrdreg $0xFFFFFFFF;
	(pc) =	sbr.abs _section_cstart, $3  }
0xc1: {  	[dreg:$0x1] =	wrdreg $0xFFFFFFFF  }
0xc2: {  	_ =	task.clear_ibuf [dreg:s8], $0x2FFFF;
	_ =	strace $0x9FFFFFFF  }
0xc3: {  	(tm) =	ssettm $0x7FFFFFFF  }
tec
execute0_lowered:
.L_overlay_start_1:
0x0: {  	(tag) =	ssettag $0x1  }
0x1: {  	s1 =	srdreg.scid  }
0x2: {  	s0 =	stileid.u32;
	s8 =	sand.u32 $0x1, s1  }
0x3: {  	s1 =	sor.u32 s8, s0  }
0x4: {  	p1 =	seq.s32 s8, $0x1;
	p0 =	seq.s32 s1, $0x0  }
0x5: {  	p0 =	por !p0, !p1  }
0x6: {  	s1 =	simm.s32 $0x1;
	p0 =	por !p0, !p0  }
0x7: {  	s1 =	simm.s32 @!p0 $0x0  }
0x8: {  	s4 =	rddreg [dreg:$0x0];
	s2 =	ssub.s32 s0, s1  }
0x9: {  	s7 =	rddreg [dreg:$0x1];
	s10 =	sshll.u32 s8, $0xB;
	s11 =	sshrl.u32 s2, $0x3  }
0xa: {  	s1 =	rddreg [dreg:$0x2];
	s5 =	sshll.u32 s2, $0x7;
	s3 =	sshll.u32 s11, $0xE  }
0xb: {  	s2 =	simm.s32 $0x0;
	s9 =	sand.u32 $0x380, s5;
	s3 =	sor.u32 s10, s3  }
0xc: {  	[smem:$0x7FF] =	sst s2;
	s5 =	sor.u32 s9, s3  }
0xd: {  	_ =	strace $0x80000047;
	s3 =	simm.s32 $0x1;
	s5 =	sshrl.u32 s5, $0x3  }
0xe: {  	s6 =	sadd.s32 s4, s5;
	s4 =	simm.s32 $0x80;
	s5 =	simm.s32 $0x400  }
0xf: {  	[tilespmem:s2], [sflag:$0x1] =	stream.strided.gather [hbm4b:s6+s4], $0x100, s5, s4, $0x38;
	[tilespmem:$0x100] =	vst v63  }
0x10: {  	_ =	swait.ge [sflag:s3], $0x100  }
0x11: {  	[sflag:s3] =	ssyncset.done $0x0  }
0x12: {  	[sflag:s3] =	ssyncadd.s32 $0xFFFFFF00  }
0x13: {  	v46 =	vld [tilespmem:$0x10]  }
0x14: {  	v0 =	vlaneseq.u32  }
0x15: {  	v19 =	vimm.s32 $0x76543210;
	v20 =	vimm.s32 $0xFEDCBA98;
	v21 =	vimm.s32 $0xBA98FEDC;
	v48 =	vld [tilespmem:$0x0]  }
0x16: {  	v22 =	vimm.s32 $0x32107654;
	v1 =	vadd.s32 $0x11, v0;
	v2 =	vadd.s32 $0x1, v0;
	v44 =	vld [tilespmem:$0x20]  }
0x17: {  	v3 =	vadd.s32 $0x21, v0;
	v4 =	vadd.s32 $0x31, v0;
	v5 =	vadd.s32 $0x41, v0;
	v49 =	vld [tilespmem:$0x30]  }
0x18: {  	v6 =	vadd.s32 $0x51, v0;
	v7 =	vadd.s32 $0x61, v0;
	v45 =	vld [tilespmem:$0x40];
	vm0 =	veq.s32 v46, $0x0  }
0x19: {  	v8 =	vadd.s32 $0x71, v0;
	v9 =	vadd.s32 $0x81, v0;
	v50 =	vld [tilespmem:$0x50];
	v16 =	vsel vm0, $0x0, v1  }
0x1a: {  	v10 =	vadd.s32 $0x91, v0;
	v51 =	vld [tilespmem:$0x60];
	vm0 =	veq.s32 v48, $0x0;
	v17 =	vmax.u32 v16, v2  }
0x1b: {  	v11 =	vadd.s32 $0xA1, v0;
	v18 =	vld [tilespmem:$0x70];
	v17 =	vsel vm0, v16, v17;
	vm0 =	veq.s32 v44, $0x0  }
0x1c: {  	v12 =	vadd.s32 $0xB1, v0;
	v32 =	vld [tilespmem:$0x80];
	v17 =	vsel vm0, v17, v3;
	vm0 =	veq.s32 v49, $0x0  }
0x1d: {  	v13 =	vadd.s32 $0xC1, v0;
	v37 =	vld [tilespmem:$0x90];
	v17 =	vsel vm0, v17, v4;
	vm0 =	veq.s32 v45, $0x0  }
0x1e: {  	v14 =	vadd.s32 $0xD1, v0;
	v23 =	vld [tilespmem:$0xA0];
	v17 =	vsel vm0, v17, v5;
	vm0 =	veq.s32 v50, $0x0  }
0x1f: {  	v15 =	vadd.s32 $0xE1, v0;
	v41 =	vld [tilespmem:$0xB0];
	v17 =	vsel vm0, v17, v6;
	vm0 =	veq.s32 v51, $0x0  }
0x20: {  	v20 =	vunpack.c.l.s4.s8 v20;
	v40 =	vld [tilespmem:$0xC0];
	v17 =	vsel vm0, v17, v7;
	vm0 =	veq.s32 v18, $0x0  }
0x21: {  	v19 =	vunpack.c.l.s4.s8 v19;
	v30 =	vld [tilespmem:$0xD0];
	v17 =	vsel vm0, v17, v8;
	vm0 =	veq.s32 v32, $0x0  }
0x22: {  	v21 =	vunpack.c.l.s4.s8 v21;
	v43 =	vld [tilespmem:$0xE0];
	v17 =	vsel vm0, v17, v9;
	vm0 =	veq.s32 v37, $0x0  }
0x23: {  	v22 =	vunpack.c.l.s4.s8 v22;
	v52 =	vld [tilespmem:$0xF0];
	v17 =	vsel vm0, v17, v10;
	vm0 =	veq.s32 v23, $0x0  }
0x24: {  	v20 =	vunpack.c.0.s8.s32 v20;
	v17 =	vsel vm0, v17, v11;
	vm0 =	veq.s32 v41, $0x0  }
0x25: {  	v19 =	vunpack.c.0.s8.s32 v19;
	v17 =	vsel vm0, v17, v12;
	vm0 =	veq.s32 v40, $0x0  }
0x26: {  	v20 =	vand.u32 $0xF, v20;
	v17 =	vsel vm0, v17, v13;
	vm0 =	veq.s32 v30, $0x0  }
0x27: {  	v16 =	vadd.s32 $0xF1, v0;
	v24 =	vsel vm0, v17, v14;
	vm0 =	veq.s32 v43, $0x0  }
0x28: {  	v17 =	vcombine.low v20, v19;
	v19 =	vsel vm0, v24, v15;
	vm0 =	veq.s32 v52, $0x0  }
0x29: {  	v20 =	vunpack.c.0.s8.s32 v21;
	v21 =	vunpack.c.0.s8.s32 v22;
	v22 =	vsel vm0, v19, v16  }
0x2a: {  	v24 =	vimm.s32 $0x54761032;
	v25 =	vperm.xlane v22, v17  }
0x2b: {  	v19 =	vimm.s32 $0xDCFE98BA;
	v24 =	vunpack.c.l.s4.s8 v24  }
0x2c: {  	v26 =	vunpack.c.l.s4.s8 v19;
	v19 =	vcombine.low v21, v20;
	vm0 =	vgt.s32 v22, v25  }
0x2d: {  	v21 =	vunpack.c.0.s8.s32 v24;
	v22 =	vsel vm0, v22, v25  }
0x2e: {  	v24 =	vimm.s32 $0xEFCDAB89;
	v20 =	vunpack.c.0.s8.s32 v26;
	v26 =	vperm.xlane v22, v19  }
0x2f: {  	v24 =	vunpack.c.l.s4.s8 v24;
	v25 =	vimm.s32 $0x67452301  }
0x30: {  	v25 =	vunpack.c.l.s4.s8 v25;
	v21 =	vcombine.low v21, v20;
	vm0 =	vgt.s32 v22, v26  }
0x31: {  	v22 =	vsel vm0, v22, v26  }
0x32: {  	v20 =	vunpack.c.0.s8.s32 v24;
	v24 =	vunpack.c.0.s8.s32 v25;
	v26 =	vperm.xlane v22, v21  }
0x33: {  	v27 =	vor.u32 $0x20, v0;
	v28 =	vor.u32 $0x30, v0;
	v29 =	vor.u32 $0x40, v0  }
0x34: {  	v31 =	vor.u32 $0x50, v0;
	v24 =	vcombine.low v24, v20;
	vm0 =	vgt.s32 v22, v26  }
0x35: {  	v33 =	vor.u32 $0x60, v0;
	v38 =	vor.u32 $0x70, v0;
	v47 =	vsel vm0, v22, v26  }
0x36: {  	v39 =	vor.u32 $0x80, v0;
	v36 =	vor.u32 $0x90, v0;
	s8 =	ssub.s32 $0x2, s8;
	v53 =	vperm.xlane v47, v24  }
0x37: {  	v34 =	vor.u32 $0xB0, v0;
	v35 =	vor.u32 $0xE0, v0;
	v42 =	vor.u32 $0xF0, v0;
	s12 =	sshrl.u32 s8, $0x1  }
0x38: {  	s8 =	ssub.s32 s8, s12;
	v25 =	vor.u32 $0x10, v0;
	v20 =	vor.u32 $0xD0, v0;
	vm0 =	vgt.s32 v47, v53  }
0x39: {  	s8 =	smax.u32 s8, $0x1;
	v22 =	vor.u32 $0xA0, v0;
	v26 =	vor.u32 $0xC0, v0;
	v47 =	vsel vm0, v47, v53  }
0x3a: {  	p0 =	sne.s32 s8, $0x1;
	vm0 =	vgt.u32 v47, v0;
	vm1 =	vgt.u32 v47, v25;
	vm2 =	vgt.u32 v47, v42  }
.Ltmp0:
0x3b: {  	s11 =	sshll.u32 s11, $0xC;
	vm3 =	vgt.u32 v47, v33;
	v48 =	vnsel vm0, $0x0, v48;
	v46 =	vnsel vm1, $0x0, v46;
	(pc) =	sbr.rel @!p0 .LBB2_2-.Ltmp0, $4  }
0x3c: {  	s10 =	sor.u32 s10, s11;
	vm0 =	vgt.u32 v47, v28;
	vm1 =	vgt.u32 v47, v27;
	v63 =	vnsel vm3, $0x0, v51;
	[tilespmem:$0x0] =	vst v48  }
0x3d: {  	s9 =	sor.u32 s9, s10;
	v49 =	vnsel vm0, $0x0, v49;
	vm0 =	vgt.u32 v47, v31;
	v48 =	vnsel vm2, $0x0, v52;
	[tilespmem:$0x10] =	vst v46  }
0x3e: {  	s9 =	sshrl.u32 s9, $0x3;
	vm2 =	vgt.u32 v47, v29;
	v44 =	vnsel vm1, $0x0, v44;
	[tilespmem:$0x60] =	vst v63;
	vm1 =	vgt.u32 v47, v39  }
0x3f: {  	s8 =	sadd.s32 $0xFFFFFFFF, s8;
	s7 =	sadd.s32 s7, s9;
	[tilespmem:$0x30] =	vst v49;
	v46 =	vnsel vm0, $0x0, v50;
	v45 =	vnsel vm2, $0x0, v45;
	vm0 =	vgt.u32 v47, v38  }
.LBB2_1:
0x40: {  	p0 =	sne.s32 s8, $0x1;
	s8 =	sadd.s32 $0xFFFFFFFF, s8;
	[tilespmem:$0x40] =	vst v45;
	v18 =	vnsel vm0, $0x0, v18;
	v32 =	vnsel vm1, $0x0, v32;
	vm0 =	vgt.u32 v47, v36  }
0x41: {  	vm1 =	vgt.u32 v47, v34;
	v37 =	vnsel vm0, $0x0, v37;
	vm0 =	vgt.u32 v47, v22;
	[tilespmem:$0xF0] =	vst v48  }
0x42: {  	[tilespmem:$0x80] =	vst v32;
	v23 =	vnsel vm0, $0x0, v23;
	v32 =	vnsel vm1, $0x0, v41;
	vm0 =	vgt.u32 v47, v26  }
0x43: {  	vm1 =	vgt.u32 v47, v35;
	[tilespmem:$0x90] =	vst v37;
	v37 =	vnsel vm0, $0x0, v40;
	vm0 =	vgt.u32 v47, v20  }
0x44: {  	[tilespmem:$0xB0] =	vst v32;
	v30 =	vnsel vm0, $0x0, v30;
	v32 =	vnsel vm1, $0x0, v43  }
0x45: {  	[tilespmem:$0x50] =	vst v46  }
0x46: {  	[tilespmem:$0xE0] =	vst v32  }
0x47: {  	[tilespmem:$0xC0] =	vst v37  }
0x48: {  	[tilespmem:$0xA0] =	vst v23  }
0x49: {  	[tilespmem:$0x70] =	vst v18  }
0x4a: {  	[tilespmem:$0x20] =	vst v44  }
0x4b: {  	[tilespmem:$0xD0] =	vst v30  }
0x4c: {  	[hbm4b:s7+s4] =	stream.strided.scatter [tilespmem:s2], [sflag:$0x1], $0x100, s5, s4, $0x38;
	[tilespmem:$0x100] =	vst v63  }
0x4d: {  	_ =	swait.ge [sflag:s3], $0x100  }
0x4e: {  	[sflag:s3] =	ssyncset.done $0x0  }
0x4f: {  	[sflag:s3] =	ssyncadd.s32 $0xFFFFFF00  }
0x50: {  	[tilespmem:s2], [sflag:$0x1] =	stream.strided.gather [hbm4b:s6+s4], $0x100, s5, s4, $0x38;
	[tilespmem:$0x100] =	vst v63  }
0x51: {  	_ =	swait.ge [sflag:s3], $0x100  }
0x52: {  	[sflag:s3] =	ssyncset.done $0x0  }
0x53: {  	[sflag:s3] =	ssyncadd.s32 $0xFFFFFF00  }
0x54: {  	v44 =	vld [tilespmem:$0x10];
	_ =	sdelay $0x1  }
0x55: {  	v45 =	vld [tilespmem:$0x0]  }
0x56: {  	v46 =	vld [tilespmem:$0x20]  }
0x57: {  	v48 =	vld [tilespmem:$0x30]  }
0x58: {  	vm0 =	veq.s32 v44, $0x0;
	v49 =	vld [tilespmem:$0x40]  }
0x59: {  	v18 =	vsel vm0, $0x0, v1;
	v50 =	vld [tilespmem:$0x50]  }
0x5a: {  	vm0 =	veq.s32 v45, $0x0;
	v23 =	vmax.u32 v18, v2;
	v51 =	vld [tilespmem:$0x60]  }
0x5b: {  	v23 =	vsel vm0, v18, v23;
	vm0 =	veq.s32 v46, $0x0;
	v18 =	vld [tilespmem:$0x70]  }
0x5c: {  	v23 =	vsel vm0, v23, v3;
	vm0 =	veq.s32 v48, $0x0;
	v32 =	vld [tilespmem:$0x80]  }
0x5d: {  	v23 =	vsel vm0, v23, v4;
	vm0 =	veq.s32 v49, $0x0;
	v37 =	vld [tilespmem:$0x90]  }
0x5e: {  	v30 =	vsel vm0, v23, v5;
	vm0 =	veq.s32 v50, $0x0;
	v23 =	vld [tilespmem:$0xA0]  }
0x5f: {  	v30 =	vsel vm0, v30, v6;
	vm0 =	veq.s32 v51, $0x0;
	v41 =	vld [tilespmem:$0xB0]  }
0x60: {  	v30 =	vsel vm0, v30, v7;
	vm0 =	veq.s32 v18, $0x0;
	v40 =	vld [tilespmem:$0xC0]  }
0x61: {  	v43 =	vsel vm0, v30, v8;
	vm0 =	veq.s32 v32, $0x0;
	v30 =	vld [tilespmem:$0xD0]  }
0x62: {  	v47 =	vsel vm0, v43, v9;
	vm0 =	veq.s32 v37, $0x0;
	v43 =	vld [tilespmem:$0xE0]  }
0x63: {  	v47 =	vsel vm0, v47, v10;
	vm0 =	veq.s32 v23, $0x0;
	v52 =	vld [tilespmem:$0xF0]  }
0x64: {  	v47 =	vsel vm0, v47, v11;
	vm0 =	veq.s32 v41, $0x0  }
0x65: {  	v47 =	vsel vm0, v47, v12;
	vm0 =	veq.s32 v40, $0x0  }
0x66: {  	v47 =	vsel vm0, v47, v13;
	vm0 =	veq.s32 v30, $0x0  }
0x67: {  	v47 =	vsel vm0, v47, v14;
	vm0 =	veq.s32 v43, $0x0  }
0x68: {  	v47 =	vsel vm0, v47, v15;
	vm0 =	veq.s32 v52, $0x0  }
0x69: {  	v47 =	vsel vm0, v47, v16  }
0x6a: {  	v53 =	vperm.xlane v47, v17;
	_ =	sdelay $0x1  }
0x6b: {  	vm0 =	vgt.s32 v47, v53  }
0x6c: {  	v47 =	vsel vm0, v47, v53  }
0x6d: {  	v53 =	vperm.xlane v47, v19;
	_ =	sdelay $0x1  }
0x6e: {  	vm0 =	vgt.s32 v47, v53  }
0x6f: {  	v47 =	vsel vm0, v47, v53  }
0x70: {  	v53 =	vperm.xlane v47, v21;
	_ =	sdelay $0x1  }
0x71: {  	vm0 =	vgt.s32 v47, v53  }
0x72: {  	v47 =	vsel vm0, v47, v53  }
0x73: {  	v53 =	vperm.xlane v47, v24;
	_ =	sdelay $0x1  }
0x74: {  	vm0 =	vgt.s32 v47, v53  }
0x75: {  	v47 =	vsel vm0, v47, v53  }
0x76: {  	vm0 =	vgt.u32 v47, v0;
	vm1 =	vgt.u32 v47, v25;
	vm2 =	vgt.u32 v47, v42  }
.Ltmp1:
0x77: {  	v45 =	vnsel vm0, $0x0, v45;
	v44 =	vnsel vm1, $0x0, v44;
	vm0 =	vgt.u32 v47, v28;
	(pc) =	sbr.rel @p0 .LBB2_1-.Ltmp1, $4  }
0x78: {  	[tilespmem:$0x0] =	vst v45;
	v45 =	vnsel vm0, $0x0, v48;
	vm0 =	vgt.u32 v47, v31;
	v48 =	vnsel vm2, $0x0, v52  }
0x79: {  	vm3 =	vgt.u32 v47, v33;
	vm1 =	vgt.u32 v47, v27;
	vm2 =	vgt.u32 v47, v29;
	[tilespmem:$0x10] =	vst v44  }
0x7a: {  	v44 =	vnsel vm1, $0x0, v46;
	v46 =	vnsel vm0, $0x0, v50;
	v50 =	vnsel vm3, $0x0, v51;
	[tilespmem:$0x30] =	vst v45  }
0x7b: {  	vm0 =	vgt.u32 v47, v38;
	vm1 =	vgt.u32 v47, v39;
	v45 =	vnsel vm2, $0x0, v49;
	[tilespmem:$0x60] =	vst v50  }
.LBB2_2:
0x7c: {  	[tilespmem:$0x40] =	vst v45  }
0x7d: {  	[tilespmem:$0xF0] =	vst v48  }
0x7e: {  	[tilespmem:$0x50] =	vst v46  }
0x7f: {  	v0 =	vnsel vm1, $0x0, v32;
	[tilespmem:$0x20] =	vst v44  }
0x80: {  	vm10 =	vgt.u32 v47, v36;
	v62 =	vnsel vm0, $0x0, v18;
	[tilespmem:$0x80] =	vst v0  }
0x81: {  	vm11 =	vgt.u32 v47, v34;
	v1 =	vnsel vm10, $0x0, v37;
	[tilespmem:$0x70] =	vst v62  }
0x82: {  	vm12 =	vgt.u32 v47, v35;
	v58 =	vnsel vm11, $0x0, v41;
	[tilespmem:$0x90] =	vst v1  }
0x83: {  	vm13 =	vgt.u32 v47, v26;
	v59 =	vnsel vm12, $0x0, v43;
	[tilespmem:$0xB0] =	vst v58  }
0x84: {  	vm14 =	vgt.u32 v47, v22;
	v60 =	vnsel vm13, $0x0, v40;
	[tilespmem:$0xE0] =	vst v59  }
0x85: {  	vm15 =	vgt.u32 v47, v20;
	v61 =	vnsel vm14, $0x0, v23;
	[tilespmem:$0xC0] =	vst v60  }
0x86: {  	v63 =	vnsel vm15, $0x0, v30;
	[tilespmem:$0xA0] =	vst v61  }
0x87: {  	[tilespmem:$0xD0] =	vst v63  }
0x88: {  	[hbm4b:s7+s4] =	stream.strided.scatter [tilespmem:s2], [sflag:$0x1], $0x100, s5, s4, $0x38;
	[tilespmem:$0x100] =	vst v63  }
0x89: {  	_ =	swait.ge [sflag:s3], $0x100  }
0x8a: {  	[sflag:s3] =	ssyncset.done $0x0  }
0x8b: {  	[sflag:s3] =	ssyncadd.s32 $0xFFFFFF00  }
0x8c: {  	_ =	sfence.sel $0x180000  }
0x8d: {  	[bflag:$0x0] =	sbarrier.arrive $0xFFFF  }
0x8e: {  	p0 =	sne.s32 s0, $0x0;
	_ =	strace $0x90000047  }
0x8f: {  	s0 =	sadd.s32 @!p0 $0x100000, s1;
	[bflag:$0x2] =	sbarrier.arrive $0xFFFF  }
0x90: {  	[sflag:s0] =	ssyncadd.tile.s32 @!p0 $0x1;
	_ =	shalt  }
.Lfunc_end2:
_tile_overlayer_lowered:
.L_overlay_start_2:
0x91: {  	(tag) =	ssettag $0x2  }
0x92: {  	s0 =	rddreg [dreg:$0x0];
	s2 =	stileid.u32  }
0x93: {  	s1 =	rddreg [dreg:$0x1];
	p0 =	sne.s32 s2, $0x0  }
0x94: {  	s3 =	rddreg [dreg:$0x2];
	[bflag:$0x3] =	sbarrier.arrive $0xFFFF;
	s2 =	simm.s32 @!p0 $0x1C01  }
0x95: {  	[timem:s3], [sflag:s2] =	dma.local @!p0 [hbm:s0], s1  }
0x96: {  	s0 =	simm.s32 @!p0 $0x1  }
0x97: {  	_ =	swait.ge @!p0 [sflag:s0], s1  }
0x98: {  	s1 =	ssub.s32 @!p0 $0x0, s1;
	[sflag:s0] =	ssyncset.done @!p0 $0x0  }
0x99: {  	[sflag:s0] =	ssyncadd.s32 @!p0 s1  }
0x9a: {  	[bflag:$0x3] =	sbarrier.arrive $0xFFFF  }
0x9b: {  	_ =	shalt  }

</sc_bundles>
